<compile_context>
chip_gen: v7x
topology: tpu7x:2x2x1
jax: 0.10.2.dev20260603
libtpu: 0.0.44.dev20260713+nightly
codegen_flags: <defaults>
</compile_context>

<pallas_src>
import functools

import jax
import jax.numpy as jnp
from jax import lax
from jax.experimental import pallas as pl
from jax.experimental.pallas import tpu as pltpu
from jax.experimental.pallas import tpu_sc as plsc

_N = 10000
_E = 320000
_NW = 32
_CHUNK = _E // _NW
_LANES = 16


def _sc_hist_body(src_hbm, dst_hbm, deg_out, match_out, src_v, dst_v, dh, mh):
    c = lax.axis_index("c")
    s = lax.axis_index("s")
    wid = s * 2 + c
    base = wid * _CHUNK
    pltpu.sync_copy(src_hbm.at[pl.ds(base, _CHUNK)], src_v)
    pltpu.sync_copy(dst_hbm.at[pl.ds(base, _CHUNK)], dst_v)

    zeros = jnp.zeros((_LANES,), jnp.int32)
    ones = jnp.ones((_LANES,), jnp.int32)
    two = jnp.full((_LANES,), 2, jnp.int32)

    def zero_body(i, _):
        dh[pl.ds(i * _LANES, _LANES)] = zeros
        mh[pl.ds(i * _LANES, _LANES)] = zeros
        return 0

    lax.fori_loop(0, _N // _LANES, zero_body, 0)

    def hist_body(i, _):
        d = dst_v[pl.ds(i * _LANES, _LANES)]
        sv = src_v[pl.ds(i * _LANES, _LANES)]
        plsc.addupdate_scatter(dh, [d], ones)
        plsc.addupdate_scatter(mh, [sv], ones, mask=d == two)
        return 0

    lax.fori_loop(0, _CHUNK // _LANES, hist_body, 0)

    pltpu.sync_copy(dh, deg_out.at[wid])
    pltpu.sync_copy(mh, match_out.at[wid])


_sc_hist = functools.partial(
    pl.kernel,
    out_type=(
        jax.ShapeDtypeStruct((_NW, _N), jnp.int32),
        jax.ShapeDtypeStruct((_NW, _N), jnp.int32),
    ),
    mesh=plsc.VectorSubcoreMesh(core_axis_name="c", subcore_axis_name="s"),
    compiler_params=pltpu.CompilerParams(needs_layout_passes=False),
    scratch_types=[
        pltpu.VMEM((_CHUNK,), jnp.int32),
        pltpu.VMEM((_CHUNK,), jnp.int32),
        pltpu.VMEM((_N,), jnp.int32),
        pltpu.VMEM((_N,), jnp.int32),
    ],
)(_sc_hist_body)


def _tc_head_body(deg_ref, match_ref, x_ref, wz_ref, bz_ref, lz_ref, lbz_ref,
                  wh_ref, bh_ref, lh_ref, lbh_ref, l1w_ref, l1b_ref, bng_ref,
                  bnb_ref, l2w_ref, l2b_ref, out_ref):
    deg = jnp.sum(deg_ref[...].astype(jnp.float32), axis=0, keepdims=True) + 1.0
    dinv = lax.rsqrt(deg)
    mc = jnp.sum(match_ref[...].astype(jnp.float32), axis=0, keepdims=True)
    lane = lax.broadcasted_iota(jnp.int32, (1, _N), 1)
    mc = mc + (lane == 2).astype(jnp.float32)
    dinv2 = lax.slice(dinv, (0, 2), (1, 3))
    w = mc * dinv * dinv2
    v = jnp.dot(w, x_ref[...], preferred_element_type=jnp.float32)
    cz = jnp.dot(v, wz_ref[...], preferred_element_type=jnp.float32) + bz_ref[...]
    ch = jnp.dot(v, wh_ref[...], preferred_element_type=jnp.float32) + bh_ref[...]
    z = jax.nn.sigmoid(
        jnp.dot(cz, lz_ref[...], preferred_element_type=jnp.float32) + lbz_ref[...])
    ht = jnp.tanh(
        jnp.dot(ch, lh_ref[...], preferred_element_type=jnp.float32) + lbh_ref[...])
    y = jax.nn.relu((1.0 - z) * ht)
    y = jnp.dot(y, l1w_ref[...], preferred_element_type=jnp.float32) + l1b_ref[...]
    y = y * (bng_ref[...] / jnp.sqrt(1.0 + 1e-5)) + bnb_ref[...]
    y = jax.nn.relu(y)
    out_ref[...] = jnp.dot(y, l2w_ref[...], preferred_element_type=jnp.float32) + l2b_ref[...]


def kernel(x, edge_index, Wz, bz, Lz, lbz, Wr, br, Lr, lbr, Wh, bh, Lh, lbh,
           l1w, l1b, bng, bnb, l2w, l2b):
    src = edge_index[0]
    dst = edge_index[1]
    deg_parts, match_parts = _sc_hist(src, dst)
    out = pl.pallas_call(
        _tc_head_body,
        out_shape=jax.ShapeDtypeStruct((1, 1), jnp.float32),
    )(deg_parts, match_parts, x,
      Wz, bz.reshape(1, -1), Lz[:128], lbz.reshape(1, -1),
      Wh, bh.reshape(1, -1), Lh[:128], lbh.reshape(1, -1),
      l1w, l1b.reshape(1, -1), bng.reshape(1, -1), bnb.reshape(1, -1),
      l2w, l2b.reshape(1, -1))
    return out.reshape((1,))

# --- scband reference (transcript-rebuilt; emitter-appended) ---
"""Pipeline reference for scband-recurrent-gcn-43198781063868 (READ-ONLY COPY).

The authoritative reference and input builder live on the scoring server;
editing this copy changes nothing except your own understanding.
"""

import jax, jax.numpy as jnp
import numpy as np

N = 10000
E = 320000
F_IN = 128
H_DIM = 128


def _gcn_conv(x, W, b, src, dst):
    # GCNConv: x' = D^{-1/2} (A + I) D^{-1/2} (x W) + b
    n = x.shape[0]
    xw = x @ W
    loop = jnp.arange(n)
    s = jnp.concatenate([src, loop])
    d = jnp.concatenate([dst, loop])
    deg = jnp.zeros((n,), x.dtype).at[d].add(1.0)
    dinv = jnp.where(deg > 0, jax.lax.rsqrt(deg), 0.0)
    norm = dinv[s] * dinv[d]
    out = jnp.zeros((n, W.shape[1]), x.dtype).at[d].add(xw[s] * norm[:, None])
    return out + b


def setup_inputs(seed: int = 0) -> dict:
    key = jax.random.key(seed)
    ks = jax.random.split(key, 24)

    def g(i, shape, scale):
        return jax.random.normal(ks[i], shape, dtype=jnp.float32) * scale

    s1 = 1.0 / np.sqrt(F_IN)
    s2 = 1.0 / np.sqrt(2 * H_DIM)
    s3 = 1.0 / np.sqrt(H_DIM)
    inp = {}
    inp['x'] = jax.random.normal(ks[0], (N, F_IN), dtype=jnp.float32)
    inp['edge_index'] = jax.random.randint(ks[1], (2, E), 0, N, dtype=jnp.int32)
    # TGCN cell 1 (only recurrent1 is used in forward)
    inp['Wz'] = g(2, (F_IN, H_DIM), s1); inp['bz'] = jnp.zeros((H_DIM,), jnp.float32)
    inp['Lz'] = g(3, (2 * H_DIM, H_DIM), s2); inp['lbz'] = g(4, (H_DIM,), s2)
    inp['Wr'] = g(5, (F_IN, H_DIM), s1); inp['br'] = jnp.zeros((H_DIM,), jnp.float32)
    inp['Lr'] = g(6, (2 * H_DIM, H_DIM), s2); inp['lbr'] = g(7, (H_DIM,), s2)
    inp['Wh'] = g(8, (F_IN, H_DIM), s1); inp['bh'] = jnp.zeros((H_DIM,), jnp.float32)
    inp['Lh'] = g(9, (2 * H_DIM, H_DIM), s2); inp['lbh'] = g(10, (H_DIM,), s2)
    # head
    inp['l1w'] = g(11, (H_DIM, H_DIM), s3); inp['l1b'] = g(12, (H_DIM,), s3)
    inp['bng'] = jnp.ones((H_DIM,), jnp.float32); inp['bnb'] = jnp.zeros((H_DIM,), jnp.float32)
    inp['l2w'] = g(13, (H_DIM, 1), s3); inp['l2b'] = g(14, (1,), s3)
    return inp


def reference(x, edge_index, Wz, bz, Lz, lbz, Wr, br, Lr, lbr, Wh, bh, Lh, lbh, l1w, l1b, bng, bnb, l2w, l2b):
    src = edge_index[0]
    dst = edge_index[1]
    H0 = jnp.zeros((x.shape[0], H_DIM), x.dtype)
    # TGCN cell with H=None -> H0 = zeros
    cz = _gcn_conv(x, Wz, bz, src, dst)
    Z = jax.nn.sigmoid(jnp.concatenate([cz, H0], axis=1) @ Lz + lbz)
    cr = _gcn_conv(x, Wr, br, src, dst)
    R = jax.nn.sigmoid(jnp.concatenate([cr, H0], axis=1) @ Lr + lbr)
    ch = _gcn_conv(x, Wh, bh, src, dst)
    Ht = jnp.tanh(jnp.concatenate([ch, H0 * R], axis=1) @ Lh + lbh)
    h = Z * H0 + (1.0 - Z) * Ht
    y = jax.nn.relu(h)
    # dropout is identity in eval mode
    y = y @ l1w + l1b
    # BatchNorm1d eval mode: running_mean=0, running_var=1
    y = (y - 0.0) / jnp.sqrt(1.0 + 1e-5) * bng + bnb
    y = jax.nn.relu(y)
    y = y @ l2w + l2b
    return y[2]

if __name__ == "__main__":
    import jax
    _d = setup_inputs()
    print(jax.jit(kernel)(*tuple(_d.values())))

</pallas_src>

<mosaic_0001>
#map = affine_map<(d0, d1) -> (0)>
#map1 = affine_map<(d0, d1) -> (0, 0)>
module attributes {stable_mosaic.version = 14 : i64} {
  func.func @_sc_hist_body(%arg0: i32, %arg1: i32, %arg2: memref<320000xi32, #tpu.memory_space<hbm>>, %arg3: memref<320000xi32, #tpu.memory_space<hbm>>, %arg4: memref<32x10000xi32, #tpu.memory_space<hbm>>, %arg5: memref<32x10000xi32, #tpu.memory_space<hbm>>, %arg6: memref<10000xi32, #tpu.memory_space<vmem>>, %arg7: memref<10000xi32, #tpu.memory_space<vmem>>, %arg8: memref<10000xi32, #tpu.memory_space<vmem>>, %arg9: memref<10000xi32, #tpu.memory_space<vmem>>) attributes {dimension_semantics = [#tpu.dimension_semantics<core_parallel>, #tpu.dimension_semantics<subcore_parallel>], iteration_bounds = array<i64: 2, 16>, scalar_prefetch = 0 : i64, scratch_operands = 4 : i64, tpu.core_type = #tpu.core_type<sc_vector_subcore>, window_params = [{transform_indices = #map}, {transform_indices = #map}, {transform_indices = #map1}, {transform_indices = #map1}]} {
    %mul3A = arith.constant 2 : i32
    %mul3A_0 = arith.muli %arg1, %mul3A : i32
    %add3A = arith.addi %mul3A_0, %arg0 : i32
    %mul3A_1 = arith.constant 10000 : i32
    %mul3A_2 = arith.muli %add3A, %mul3A_1 : i32
    "tpu.region"() ({
      %run_scoped3A = tpu.sem_alloc : memref<!tpu.dma_semaphore, #tpu.memory_space<semaphore_mem>>
      %dma_start3A = tpu.memref_slice %arg2[%mul3A_2] : memref<320000xi32, #tpu.memory_space<hbm>> -> memref<10000xi32, #tpu.memory_space<hbm>>
      %dma_start3A_21 = tpu.memref_slice %arg2[%mul3A_2] : memref<320000xi32, #tpu.memory_space<hbm>> -> memref<10000xi32, #tpu.memory_space<hbm>>
      tpu.enqueue_dma source(%dma_start3A_21 : memref<10000xi32, #tpu.memory_space<hbm>>) target(%arg6 : memref<10000xi32, #tpu.memory_space<vmem>>) target_semaphore(%run_scoped3A : memref<!tpu.dma_semaphore, #tpu.memory_space<semaphore_mem>>)
      %dma_wait3A = tpu.memref_slice %arg2[%mul3A_2] : memref<320000xi32, #tpu.memory_space<hbm>> -> memref<10000xi32, #tpu.memory_space<hbm>>
      %dma_wait3A_22 = tpu.memref_slice %arg2[%mul3A_2] : memref<320000xi32, #tpu.memory_space<hbm>> -> memref<10000xi32, #tpu.memory_space<hbm>>
      tpu.wait_dma2 semaphore(%run_scoped3A : memref<!tpu.dma_semaphore, #tpu.memory_space<semaphore_mem>>) src(%dma_wait3A_22 : memref<10000xi32, #tpu.memory_space<hbm>>) dst(%arg6 : memref<10000xi32, #tpu.memory_space<vmem>>)
      tpu.yield
    }) : () -> ()
    "tpu.region"() ({
      %run_scoped3A = tpu.sem_alloc : memref<!tpu.dma_semaphore, #tpu.memory_space<semaphore_mem>>
      %dma_start3A = tpu.memref_slice %arg3[%mul3A_2] : memref<320000xi32, #tpu.memory_space<hbm>> -> memref<10000xi32, #tpu.memory_space<hbm>>
      %dma_start3A_21 = tpu.memref_slice %arg3[%mul3A_2] : memref<320000xi32, #tpu.memory_space<hbm>> -> memref<10000xi32, #tpu.memory_space<hbm>>
      tpu.enqueue_dma source(%dma_start3A_21 : memref<10000xi32, #tpu.memory_space<hbm>>) target(%arg7 : memref<10000xi32, #tpu.memory_space<vmem>>) target_semaphore(%run_scoped3A : memref<!tpu.dma_semaphore, #tpu.memory_space<semaphore_mem>>)
      %dma_wait3A = tpu.memref_slice %arg3[%mul3A_2] : memref<320000xi32, #tpu.memory_space<hbm>> -> memref<10000xi32, #tpu.memory_space<hbm>>
      %dma_wait3A_22 = tpu.memref_slice %arg3[%mul3A_2] : memref<320000xi32, #tpu.memory_space<hbm>> -> memref<10000xi32, #tpu.memory_space<hbm>>
      tpu.wait_dma2 semaphore(%run_scoped3A : memref<!tpu.dma_semaphore, #tpu.memory_space<semaphore_mem>>) src(%dma_wait3A_22 : memref<10000xi32, #tpu.memory_space<hbm>>) dst(%arg7 : memref<10000xi32, #tpu.memory_space<vmem>>)
      tpu.yield
    }) : () -> ()
    %broadcast_in_dim3A = arith.constant 0 : i32
    %broadcast_in_dim3A_3 = vector.broadcast %broadcast_in_dim3A : i32 to vector<16xi32>
    %broadcast_in_dim3A_4 = arith.constant 1 : i32
    %broadcast_in_dim3A_5 = vector.broadcast %broadcast_in_dim3A_4 : i32 to vector<16xi32>
    %broadcast_in_dim3A_6 = arith.constant 2 : i32
    %broadcast_in_dim3A_7 = vector.broadcast %broadcast_in_dim3A_6 : i32 to vector<16xi32>
    %scan3A = arith.constant 0 : i32
    %scan3A_8 = arith.constant 0 : i32
    %scan3A_9 = arith.constant 625 : i32
    %scan3A_10 = arith.addi %scan3A_8, %scan3A_9 : i32
    %scan3A_11 = arith.constant 1 : i32
    %scan3A_12 = scf.for %scan3A_21 = %scan3A_8 to %scan3A_10 step %scan3A_11 iter_args(%scan3A_22 = %scan3A) -> (i32)  : i32 {
      %mul3A_23 = arith.constant 16 : i32
      %mul3A_24 = arith.muli %scan3A_21, %mul3A_23 : i32
      %swap3A = arith.index_cast %mul3A_24 : i32 to index
      %swap3A_25 = tpu.vector_load %arg8[%swap3A] {strides = array<i32>} : memref<10000xi32, #tpu.memory_space<vmem>>, vector<16xi32>,
      tpu.vector_store %arg8[%swap3A], %broadcast_in_dim3A_3 {strides = array<i32>} : memref<10000xi32, #tpu.memory_space<vmem>>, vector<16xi32>,
      %mul3A_26 = arith.constant 16 : i32
      %mul3A_27 = arith.muli %scan3A_21, %mul3A_26 : i32
      %swap3A_28 = arith.index_cast %mul3A_27 : i32 to index
      %swap3A_29 = tpu.vector_load %arg9[%swap3A_28] {strides = array<i32>} : memref<10000xi32, #tpu.memory_space<vmem>>, vector<16xi32>,
      tpu.vector_store %arg9[%swap3A_28], %broadcast_in_dim3A_3 {strides = array<i32>} : memref<10000xi32, #tpu.memory_space<vmem>>, vector<16xi32>,
      %scan3A_30 = arith.constant 0 : i32
      scf.yield %scan3A_30 : i32
    }
    %scan3A_13 = arith.constant 625 : i32
    %scan3A_14 = arith.constant 0 : i32
    %scan3A_15 = arith.constant 0 : i32
    %scan3A_16 = arith.constant 625 : i32
    %scan3A_17 = arith.addi %scan3A_15, %scan3A_16 : i32
    %scan3A_18 = arith.constant 1 : i32
    %scan3A_19 = scf.for %scan3A_21 = %scan3A_15 to %scan3A_17 step %scan3A_18 iter_args(%scan3A_22 = %scan3A_14) -> (i32)  : i32 {
      %mul3A_23 = arith.constant 16 : i32
      %mul3A_24 = arith.muli %scan3A_21, %mul3A_23 : i32
      %get3A = arith.index_cast %mul3A_24 : i32 to index
      %get3A_25 = tpu.vector_load %arg7[%get3A] {strides = array<i32>} : memref<10000xi32, #tpu.memory_space<vmem>>, vector<16xi32>,
      %mul3A_26 = arith.constant 16 : i32
      %mul3A_27 = arith.muli %scan3A_21, %mul3A_26 : i32
      %get3A_28 = arith.index_cast %mul3A_27 : i32 to index
      %get3A_29 = tpu.vector_load %arg6[%get3A_28] {strides = array<i32>} : memref<10000xi32, #tpu.memory_space<vmem>>, vector<16xi32>,
      tpu.vector_store_idx %arg8[%get3A_25], %broadcast_in_dim3A_5 {add = true} : memref<10000xi32, #tpu.memory_space<vmem>>[vector<16xi32>], vector<16xi32>,
      %eq3A = arith.cmpi eq, %get3A_25, %broadcast_in_dim3A_7 : vector<16xi32>
      tpu.vector_store_idx %arg9[%get3A_29], %broadcast_in_dim3A_5 masked %eq3A {add = true} : memref<10000xi32, #tpu.memory_space<vmem>>[vector<16xi32>], vector<16xi32>, vector<16xi1>
      %scan3A_30 = arith.constant 0 : i32
      scf.yield %scan3A_30 : i32
    }
    %scan3A_20 = arith.constant 625 : i32
    "tpu.region"() ({
      %run_scoped3A = tpu.sem_alloc : memref<!tpu.dma_semaphore, #tpu.memory_space<semaphore_mem>>
      %dma_start3A = arith.constant 0 : i32
      %dma_start3A_21 = tpu.memref_slice %arg4[%add3A, %dma_start3A] : memref<32x10000xi32, #tpu.memory_space<hbm>> -> memref<1x10000xi32, #tpu.memory_space<hbm>>
      %dma_start3A_22 = tpu.memref_squeeze %dma_start3A_21 : memref<1x10000xi32, #tpu.memory_space<hbm>> -> memref<10000xi32, #tpu.memory_space<hbm>>
      %dma_start3A_23 = arith.constant 0 : i32
      %dma_start3A_24 = tpu.memref_slice %arg4[%add3A, %dma_start3A_23] : memref<32x10000xi32, #tpu.memory_space<hbm>> -> memref<1x10000xi32, #tpu.memory_space<hbm>>
      %dma_start3A_25 = tpu.memref_squeeze %dma_start3A_24 : memref<1x10000xi32, #tpu.memory_space<hbm>> -> memref<10000xi32, #tpu.memory_space<hbm>>
      tpu.enqueue_dma source(%arg8 : memref<10000xi32, #tpu.memory_space<vmem>>) target(%dma_start3A_25 : memref<10000xi32, #tpu.memory_space<hbm>>) target_semaphore(%run_scoped3A : memref<!tpu.dma_semaphore, #tpu.memory_space<semaphore_mem>>)
      %dma_wait3A = arith.constant 0 : i32
      %dma_wait3A_26 = tpu.memref_slice %arg4[%add3A, %dma_wait3A] : memref<32x10000xi32, #tpu.memory_space<hbm>> -> memref<1x10000xi32, #tpu.memory_space<hbm>>
      %dma_wait3A_27 = tpu.memref_squeeze %dma_wait3A_26 : memref<1x10000xi32, #tpu.memory_space<hbm>> -> memref<10000xi32, #tpu.memory_space<hbm>>
      %dma_wait3A_28 = arith.constant 0 : i32
      %dma_wait3A_29 = tpu.memref_slice %arg4[%add3A, %dma_wait3A_28] : memref<32x10000xi32, #tpu.memory_space<hbm>> -> memref<1x10000xi32, #tpu.memory_space<hbm>>
      %dma_wait3A_30 = tpu.memref_squeeze %dma_wait3A_29 : memref<1x10000xi32, #tpu.memory_space<hbm>> -> memref<10000xi32, #tpu.memory_space<hbm>>
      tpu.wait_dma2 semaphore(%run_scoped3A : memref<!tpu.dma_semaphore, #tpu.memory_space<semaphore_mem>>) src(%arg8 : memref<10000xi32, #tpu.memory_space<vmem>>) dst(%dma_wait3A_30 : memref<10000xi32, #tpu.memory_space<hbm>>)
      tpu.yield
    }) : () -> ()
    "tpu.region"() ({
      %run_scoped3A = tpu.sem_alloc : memref<!tpu.dma_semaphore, #tpu.memory_space<semaphore_mem>>
      %dma_start3A = arith.constant 0 : i32
      %dma_start3A_21 = tpu.memref_slice %arg5[%add3A, %dma_start3A] : memref<32x10000xi32, #tpu.memory_space<hbm>> -> memref<1x10000xi32, #tpu.memory_space<hbm>>
      %dma_start3A_22 = tpu.memref_squeeze %dma_start3A_21 : memref<1x10000xi32, #tpu.memory_space<hbm>> -> memref<10000xi32, #tpu.memory_space<hbm>>
      %dma_start3A_23 = arith.constant 0 : i32
      %dma_start3A_24 = tpu.memref_slice %arg5[%add3A, %dma_start3A_23] : memref<32x10000xi32, #tpu.memory_space<hbm>> -> memref<1x10000xi32, #tpu.memory_space<hbm>>
      %dma_start3A_25 = tpu.memref_squeeze %dma_start3A_24 : memref<1x10000xi32, #tpu.memory_space<hbm>> -> memref<10000xi32, #tpu.memory_space<hbm>>
      tpu.enqueue_dma source(%arg9 : memref<10000xi32, #tpu.memory_space<vmem>>) target(%dma_start3A_25 : memref<10000xi32, #tpu.memory_space<hbm>>) target_semaphore(%run_scoped3A : memref<!tpu.dma_semaphore, #tpu.memory_space<semaphore_mem>>)
      %dma_wait3A = arith.constant 0 : i32
      %dma_wait3A_26 = tpu.memref_slice %arg5[%add3A, %dma_wait3A] : memref<32x10000xi32, #tpu.memory_space<hbm>> -> memref<1x10000xi32, #tpu.memory_space<hbm>>
      %dma_wait3A_27 = tpu.memref_squeeze %dma_wait3A_26 : memref<1x10000xi32, #tpu.memory_space<hbm>> -> memref<10000xi32, #tpu.memory_space<hbm>>
      %dma_wait3A_28 = arith.constant 0 : i32
      %dma_wait3A_29 = tpu.memref_slice %arg5[%add3A, %dma_wait3A_28] : memref<32x10000xi32, #tpu.memory_space<hbm>> -> memref<1x10000xi32, #tpu.memory_space<hbm>>
      %dma_wait3A_30 = tpu.memref_squeeze %dma_wait3A_29 : memref<1x10000xi32, #tpu.memory_space<hbm>> -> memref<10000xi32, #tpu.memory_space<hbm>>
      tpu.wait_dma2 semaphore(%run_scoped3A : memref<!tpu.dma_semaphore, #tpu.memory_space<semaphore_mem>>) src(%arg9 : memref<10000xi32, #tpu.memory_space<vmem>>) dst(%dma_wait3A_30 : memref<10000xi32, #tpu.memory_space<hbm>>)
      tpu.yield
    }) : () -> ()
    return
  }
}

module attributes {stable_mosaic.version = 14 : i64} {
  func.func @_tc_head_body(%arg0: memref<32x10000xi32, #tpu.memory_space<vmem>>, %arg1: memref<32x10000xi32, #tpu.memory_space<vmem>>, %arg2: memref<10000x128xf32, #tpu.memory_space<vmem>>, %arg3: memref<128x128xf32, #tpu.memory_space<vmem>>, %arg4: memref<1x128xf32, #tpu.memory_space<vmem>>, %arg5: memref<128x128xf32, #tpu.memory_space<vmem>>, %arg6: memref<1x128xf32, #tpu.memory_space<vmem>>, %arg7: memref<128x128xf32, #tpu.memory_space<vmem>>, %arg8: memref<1x128xf32, #tpu.memory_space<vmem>>, %arg9: memref<128x128xf32, #tpu.memory_space<vmem>>, %arg10: memref<1x128xf32, #tpu.memory_space<vmem>>, %arg11: memref<128x128xf32, #tpu.memory_space<vmem>>, %arg12: memref<1x128xf32, #tpu.memory_space<vmem>>, %arg13: memref<1x128xf32, #tpu.memory_space<vmem>>, %arg14: memref<1x128xf32, #tpu.memory_space<vmem>>, %arg15: memref<128x1xf32, #tpu.memory_space<vmem>>, %arg16: memref<1x1xf32, #tpu.memory_space<vmem>>, %arg17: memref<1x1xf32, #tpu.memory_space<vmem>>) attributes {dimension_semantics = [], scalar_prefetch = 0 : i64, scratch_operands = 0 : i64, tpu.core_type = #tpu.core_type<tc>} {
    %get3A = arith.constant 0 : index
    %get3A_0 = arith.constant 0 : index
    %get3A_1 = vector.load %arg0[%get3A, %get3A_0] : memref<32x10000xi32, #tpu.memory_space<vmem>>, vector<32x10000xi32>
    %convert_element_type3A = arith.sitofp %get3A_1 : vector<32x10000xi32> to vector<32x10000xf32>
    %reduce_sum3A = arith.constant dense<0.000000e+00> : vector<10000xf32>
    %reduce_sum3A_2 = vector.multi_reduction <add>, %convert_element_type3A, %reduce_sum3A [0] : vector<32x10000xf32> to vector<10000xf32>
    %broadcast_in_dim3A = vector.shape_cast %reduce_sum3A_2 : vector<10000xf32> to vector<1x10000xf32>
    %add3A = arith.constant 1.000000e+00 : f32
    %add3A_3 = vector.broadcast %add3A : f32 to vector<1x10000xf32>
    %add3A_4 = arith.addf %broadcast_in_dim3A, %add3A_3 : vector<1x10000xf32>
    %rsqrt3A = math.rsqrt %add3A_4 : vector<1x10000xf32>
    %get3A_5 = arith.constant 0 : index
    %get3A_6 = arith.constant 0 : index
    %get3A_7 = vector.load %arg1[%get3A_5, %get3A_6] : memref<32x10000xi32, #tpu.memory_space<vmem>>, vector<32x10000xi32>
    %convert_element_type3A_8 = arith.sitofp %get3A_7 : vector<32x10000xi32> to vector<32x10000xf32>
    %reduce_sum3A_9 = arith.constant dense<0.000000e+00> : vector<10000xf32>
    %reduce_sum3A_10 = vector.multi_reduction <add>, %convert_element_type3A_8, %reduce_sum3A_9 [0] : vector<32x10000xf32> to vector<10000xf32>
    %broadcast_in_dim3A_11 = vector.shape_cast %reduce_sum3A_10 : vector<10000xf32> to vector<1x10000xf32>
    %iota3A = tpu.iota {dimensions = array<i32: 1>} : vector<1x10000xi32>
    %eq3A = arith.constant 2 : i32
    %eq3A_12 = vector.broadcast %eq3A : i32 to vector<1x10000xi32>
    %eq3A_13 = arith.cmpi eq, %iota3A, %eq3A_12 : vector<1x10000xi32>
    %convert_element_type3A_14 = arith.extui %eq3A_13 : vector<1x10000xi1> to vector<1x10000xi32>
    %convert_element_type3A_15 = arith.sitofp %convert_element_type3A_14 : vector<1x10000xi32> to vector<1x10000xf32>
    %add3A_16 = arith.addf %broadcast_in_dim3A_11, %convert_element_type3A_15 : vector<1x10000xf32>
    %slice3A = vector.extract_strided_slice %rsqrt3A {offsets = [0, 2], sizes = [1, 1], strides = [1, 1]} : vector<1x10000xf32> to vector<1x1xf32>
    %mul3A = arith.mulf %add3A_16, %rsqrt3A : vector<1x10000xf32>
    %mul3A_17 = vector.broadcast %slice3A : vector<1x1xf32> to vector<1x10000xf32>
    %mul3A_18 = arith.mulf %mul3A, %mul3A_17 : vector<1x10000xf32>
    %get3A_19 = arith.constant 0 : index
    %get3A_20 = arith.constant 0 : index
    %get3A_21 = vector.load %arg2[%get3A_19, %get3A_20] : memref<10000x128xf32, #tpu.memory_space<vmem>>, vector<10000x128xf32>
    %dot_general3A = arith.constant dense<0.000000e+00> : vector<1x128xf32>
    %dot_general3A_22 = tpu.matmul %mul3A_18, %get3A_21, %dot_general3A {dimension_numbers = #tpu.dot_dimension_numbers<[1], [0], [0], [1], [0, 0, 1, 1], [], []>, transpose_lhs_hint = false} : vector<1x10000xf32>, vector<10000x128xf32>, vector<1x128xf32> -> vector<1x128xf32>
    %get3A_23 = arith.constant 0 : index
    %get3A_24 = arith.constant 0 : index
    %get3A_25 = vector.load %arg3[%get3A_23, %get3A_24] : memref<128x128xf32, #tpu.memory_space<vmem>>, vector<128x128xf32>
    %dot_general3A_26 = arith.constant dense<0.000000e+00> : vector<1x128xf32>
    %dot_general3A_27 = tpu.matmul %dot_general3A_22, %get3A_25, %dot_general3A_26 {dimension_numbers = #tpu.dot_dimension_numbers<[1], [0], [0], [1], [0, 0, 1, 1], [], []>, transpose_lhs_hint = false} : vector<1x128xf32>, vector<128x128xf32>, vector<1x128xf32> -> vector<1x128xf32>
    %get3A_28 = arith.constant 0 : index
    %get3A_29 = arith.constant 0 : index
    %get3A_30 = vector.load %arg4[%get3A_28, %get3A_29] : memref<1x128xf32, #tpu.memory_space<vmem>>, vector<1x128xf32>
    %add3A_31 = arith.addf %dot_general3A_27, %get3A_30 : vector<1x128xf32>
    %get3A_32 = arith.constant 0 : index
    %get3A_33 = arith.constant 0 : index
    %get3A_34 = vector.load %arg7[%get3A_32, %get3A_33] : memref<128x128xf32, #tpu.memory_space<vmem>>, vector<128x128xf32>
    %dot_general3A_35 = arith.constant dense<0.000000e+00> : vector<1x128xf32>
    %dot_general3A_36 = tpu.matmul %dot_general3A_22, %get3A_34, %dot_general3A_35 {dimension_numbers = #tpu.dot_dimension_numbers<[1], [0], [0], [1], [0, 0, 1, 1], [], []>, transpose_lhs_hint = false} : vector<1x128xf32>, vector<128x128xf32>, vector<1x128xf32> -> vector<1x128xf32>
    %get3A_37 = arith.constant 0 : index
    %get3A_38 = arith.constant 0 : index
    %get3A_39 = vector.load %arg8[%get3A_37, %get3A_38] : memref<1x128xf32, #tpu.memory_space<vmem>>, vector<1x128xf32>
    %add3A_40 = arith.addf %dot_general3A_36, %get3A_39 : vector<1x128xf32>
    %get3A_41 = arith.constant 0 : index
    %get3A_42 = arith.constant 0 : index
    %get3A_43 = vector.load %arg5[%get3A_41, %get3A_42] : memref<128x128xf32, #tpu.memory_space<vmem>>, vector<128x128xf32>
    %dot_general3A_44 = arith.constant dense<0.000000e+00> : vector<1x128xf32>
    %dot_general3A_45 = tpu.matmul %add3A_31, %get3A_43, %dot_general3A_44 {dimension_numbers = #tpu.dot_dimension_numbers<[1], [0], [0], [1], [0, 0, 1, 1], [], []>, transpose_lhs_hint = false} : vector<1x128xf32>, vector<128x128xf32>, vector<1x128xf32> -> vector<1x128xf32>
    %get3A_46 = arith.constant 0 : index
    %get3A_47 = arith.constant 0 : index
    %get3A_48 = vector.load %arg6[%get3A_46, %get3A_47] : memref<1x128xf32, #tpu.memory_space<vmem>>, vector<1x128xf32>
    %add3A_49 = arith.addf %dot_general3A_45, %get3A_48 : vector<1x128xf32>
    %logistic3A = arith.negf %add3A_49 : vector<1x128xf32>
    %logistic3A_50 = math.exp %logistic3A : vector<1x128xf32>
    %logistic3A_51 = arith.constant 1.000000e+00 : f32
    %logistic3A_52 = vector.broadcast %logistic3A_51 : f32 to vector<1x128xf32>
    %logistic3A_53 = arith.addf %logistic3A_52, %logistic3A_50 : vector<1x128xf32>
    %logistic3A_54 = arith.divf %logistic3A_52, %logistic3A_53 : vector<1x128xf32>
    %get3A_55 = arith.constant 0 : index
    %get3A_56 = arith.constant 0 : index
    %get3A_57 = vector.load %arg9[%get3A_55, %get3A_56] : memref<128x128xf32, #tpu.memory_space<vmem>>, vector<128x128xf32>
    %dot_general3A_58 = arith.constant dense<0.000000e+00> : vector<1x128xf32>
    %dot_general3A_59 = tpu.matmul %add3A_40, %get3A_57, %dot_general3A_58 {dimension_numbers = #tpu.dot_dimension_numbers<[1], [0], [0], [1], [0, 0, 1, 1], [], []>, transpose_lhs_hint = false} : vector<1x128xf32>, vector<128x128xf32>, vector<1x128xf32> -> vector<1x128xf32>
    %get3A_60 = arith.constant 0 : index
    %get3A_61 = arith.constant 0 : index
    %get3A_62 = vector.load %arg10[%get3A_60, %get3A_61] : memref<1x128xf32, #tpu.memory_space<vmem>>, vector<1x128xf32>
    %add3A_63 = arith.addf %dot_general3A_59, %get3A_62 : vector<1x128xf32>
    %tanh3A = math.tanh %add3A_63 : vector<1x128xf32>
    %sub3A = arith.constant 1.000000e+00 : f32
    %sub3A_64 = vector.broadcast %sub3A : f32 to vector<1x128xf32>
    %sub3A_65 = arith.subf %sub3A_64, %logistic3A_54 : vector<1x128xf32>
    %mul3A_66 = arith.mulf %sub3A_65, %tanh3A : vector<1x128xf32>
    %max3A = arith.constant 0.000000e+00 : f32
    %max3A_67 = vector.broadcast %max3A : f32 to vector<1x128xf32>
    %max3A_68 = arith.maximumf %mul3A_66, %max3A_67 : vector<1x128xf32>
    %get3A_69 = arith.constant 0 : index
    %get3A_70 = arith.constant 0 : index
    %get3A_71 = vector.load %arg11[%get3A_69, %get3A_70] : memref<128x128xf32, #tpu.memory_space<vmem>>, vector<128x128xf32>
    %dot_general3A_72 = arith.constant dense<0.000000e+00> : vector<1x128xf32>
    %dot_general3A_73 = tpu.matmul %max3A_68, %get3A_71, %dot_general3A_72 {dimension_numbers = #tpu.dot_dimension_numbers<[1], [0], [0], [1], [0, 0, 1, 1], [], []>, transpose_lhs_hint = false} : vector<1x128xf32>, vector<128x128xf32>, vector<1x128xf32> -> vector<1x128xf32>
    %get3A_74 = arith.constant 0 : index
    %get3A_75 = arith.constant 0 : index
    %get3A_76 = vector.load %arg12[%get3A_74, %get3A_75] : memref<1x128xf32, #tpu.memory_space<vmem>>, vector<1x128xf32>
    %add3A_77 = arith.addf %dot_general3A_73, %get3A_76 : vector<1x128xf32>
    %get3A_78 = arith.constant 0 : index
    %get3A_79 = arith.constant 0 : index
    %get3A_80 = vector.load %arg13[%get3A_78, %get3A_79] : memref<1x128xf32, #tpu.memory_space<vmem>>, vector<1x128xf32>
    %sqrt3A = arith.constant 1.000010e+00 : f32
    %sqrt3A_81 = math.sqrt %sqrt3A : f32
    %div3A = vector.broadcast %sqrt3A_81 : f32 to vector<1x128xf32>
    %div3A_82 = arith.divf %get3A_80, %div3A : vector<1x128xf32>
    %mul3A_83 = arith.mulf %add3A_77, %div3A_82 : vector<1x128xf32>
    %get3A_84 = arith.constant 0 : index
    %get3A_85 = arith.constant 0 : index
    %get3A_86 = vector.load %arg14[%get3A_84, %get3A_85] : memref<1x128xf32, #tpu.memory_space<vmem>>, vector<1x128xf32>
    %add3A_87 = arith.addf %mul3A_83, %get3A_86 : vector<1x128xf32>
    %max3A_88 = arith.constant 0.000000e+00 : f32
    %max3A_89 = vector.broadcast %max3A_88 : f32 to vector<1x128xf32>
    %max3A_90 = arith.maximumf %add3A_87, %max3A_89 : vector<1x128xf32>
    %get3A_91 = arith.constant 0 : index
    %get3A_92 = arith.constant 0 : index
    %get3A_93 = vector.load %arg15[%get3A_91, %get3A_92] : memref<128x1xf32, #tpu.memory_space<vmem>>, vector<128x1xf32>
    %dot_general3A_94 = arith.constant dense<0.000000e+00> : vector<1x1xf32>
    %dot_general3A_95 = tpu.matmul %max3A_90, %get3A_93, %dot_general3A_94 {dimension_numbers = #tpu.dot_dimension_numbers<[1], [0], [0], [1], [0, 0, 1, 1], [], []>, transpose_lhs_hint = false} : vector<1x128xf32>, vector<128x1xf32>, vector<1x1xf32> -> vector<1x1xf32>
    %get3A_96 = arith.constant 0 : index
    %get3A_97 = arith.constant 0 : index
    %get3A_98 = vector.load %arg16[%get3A_96, %get3A_97] : memref<1x1xf32, #tpu.memory_space<vmem>>, vector<1x1xf32>
    %add3A_99 = arith.addf %dot_general3A_95, %get3A_98 : vector<1x1xf32>
    %swap3A = arith.constant 0 : index
    %swap3A_100 = arith.constant 0 : index
    %swap3A_101 = vector.load %arg17[%swap3A, %swap3A_100] : memref<1x1xf32, #tpu.memory_space<vmem>>, vector<1x1xf32>
    tpu.vector_store %arg17[%swap3A, %swap3A_100], %add3A_99 {strides = array<i32>} : memref<1x1xf32, #tpu.memory_space<vmem>>, vector<1x1xf32>,
    return
  }
}

</mosaic_0001>

<sc_bundles>
// kernel: kernel.4.cloned.1.call-start
scs
__scs_entry_jumppad:
0x0: {  	(pc) =	sbr.rel $0x88, $3  }
0x1: {  	(tag) =	ssettag $0x0;
	lr =	simm.s32 $0x1  }
0x2: {  	[smem:$0x3F91] =	sst lr;
	_ =	strace $0xD0000000  }
0x3: {  	_ = 	snop  }
0x4: {  	_ = 	snop  }
0x5: {  	_ = 	snop  }
0x6: {  	_ = 	snop  }
0x7: {  	_ = 	snop  }
__scs_overlays_trampoline_lowered:
0x8: {  	[smem:$0x3FA0] =	sst s0  }
0x9: {  	[smem:$0x3FA1] =	sst s1  }
0xa: {  	[smem:$0x3FA2] =	sst s2  }
0xb: {  	[smem:$0x3FA3] =	sst s3  }
0xc: {  	[smem:$0x3FA4] =	sst s4  }
0xd: {  	[smem:$0x3FA5] =	sst s5  }
0xe: {  	[smem:$0x3FA6] =	sst s6  }
0xf: {  	[smem:$0x3FA7] =	sst s7  }
0x10: {  	[smem:$0x3FA8] =	sst s8  }
0x11: {  	[smem:$0x3FA9] =	sst s9;
	s0 =	simm.s32 @!p0 $0x0  }
0x12: {  	s1 =	sld [smem:$0x3F8F];
	s0 =	simm.s32 @p0 $0x1  }
0x13: {  	[smem:$0x3FAA] =	sst s0;
	s0 =	simm.s32 @!p1 $0x0  }
0x14: {  	s2 =	sld [smem:$0x3F8E];
	s0 =	simm.s32 @p1 $0x1  }
0x15: {  	[smem:$0x3FAB] =	sst s0;
	s0 =	simm.s32 @!p2 $0x0  }
0x16: {  	s3 =	sld [smem:$0x3FDB];
	s0 =	simm.s32 @p2 $0x1  }
0x17: {  	s4 =	simm.s32 $0x1BF5;
	[smem:$0x3FAD] =	sst s0  }
0x18: {  	s0 =	sld [smem:$0x3F90];
	_ =	swait.ge [sflag:s4], $0x0  }
0x19: {  	s7 =	sld [smem:$0x3F91]  }
0x1a: {  	s8 =	sadd.s32 $0xFFFFE003, lr  }
0x1b: {  	s9 =	sadd.s32 $0xFFFFFEF7, lr;
	s5 =	simm.s32 $0xFFFFFFFF;
	p2 =	slt.u32 s8, $0xFFFFF086  }
0x1c: {  	p1 =	slt.u32 s9, $0xF7A;
	s5 =	simm.s32 @!p2 $0x0  }
0x1d: {  	s5 =	simm.s32 @p1 $0x1;
	p0 =	seq.s32 s7, s2  }
0x1e: {  	s7 =	smul.u32 @!p0 $0xF7A, s2;
	p2 =	seq.s32 @!p0 s5, $0x0  }
0x1f: {  	s9 =	smul.u32 $0xF7A, s1;
	s8 =	simm.s32 @!p0 $0x1BF5;
	p2 =	por !p2, p0  }
0x20: {  	[sflag:s8] =	ssyncset.s32 @!p0 $0xFFFFF086;
	s6 =	sadd.s32 @!p0 s3, s7;
	s7 =	simm.s32 @!p0 $0x108  }
0x21: {  	s3 =	sadd.s32 s3, s9;
	s6 =	sadd.s32 @!p0 $0x88, s6;
	s7 =	simm.s32 @p2 $0x1082  }
0x22: {  	[simem:s7], [sflag:s8] =	dma.local @!p0 [hbm:s6], $0xF7A  }
0x23: {  	s9 =	sor.u32 $0xD0000000, s2;
	s6 =	simm.s32 $0x108;
	_ =	swait.ge @!p0 [sflag:s8], $0x0  }
0x24: {  	s3 =	sadd.s32 $0x88, s3;
	s6 =	simm.s32 @!p1 $0x1082;
	[sflag:s4] =	ssyncset.s32 $0xFFFFF086  }
0x25: {  	[simem:s6], [sflag:s4] =	dma.local [hbm:s3], $0xF7A  }
0x26: {  	[smem:$0x3F91] =	sst s1;
	(tag) =	ssettag s2;
	_ =	strace s9  }
0x27: {  	s1 =	sld [smem:$0x3FA1]  }
0x28: {  	s2 =	sld [smem:$0x3FA2]  }
0x29: {  	s4 =	sld [smem:$0x3FA4]  }
0x2a: {  	p0 =	seq.s32 s5, $0x0;
	s5 =	sld [smem:$0x3FA5]  }
0x2b: {  	s6 =	sld [smem:$0x3FA6]  }
0x2c: {  	s7 =	sld [smem:$0x3FA7]  }
0x2d: {  	s3 =	simm.s32 $0x108;
	s8 =	sld [smem:$0x3FA8]  }
0x2e: {  	s3 =	simm.s32 @!p0 $0x1082;
	s9 =	sld [smem:$0x3FA9]  }
0x2f: {  	lr =	sadd.s32 s0, s3;
	s0 =	sld [smem:$0x3FA0]  }
0x30: {  	s3 =	sld [smem:$0x3FA3]  }
0x31: {  	[smem:$0x3FAC] =	sst s10  }
0x32: {  	s10 =	sld [smem:$0x3FAA];
	_ =	sdelay $0x3  }
0x33: {  	p0 =	seq.s32 s10, $0x1;
	s10 =	sld [smem:$0x3FAC];
	_ =	sdelay $0x3  }
0x34: {  	[smem:$0x3FAC] =	sst s10  }
0x35: {  	s10 =	sld [smem:$0x3FAB];
	_ =	sdelay $0x3  }
0x36: {  	p1 =	seq.s32 s10, $0x1;
	s10 =	sld [smem:$0x3FAC];
	_ =	sdelay $0x3  }
0x37: {  	[smem:$0x3FAC] =	sst s10  }
0x38: {  	s10 =	sld [smem:$0x3FAD]  }
0x39: {  	_ = 	snop;
	(pc) =	sbr.ind lr, $3  }
0x3a: {  	_ = 	snop  }
0x3b: {  	_ = 	snop  }
0x3c: {  	p2 =	seq.s32 s10, $0x1;
	s10 =	sld [smem:$0x3FAC]  }
0x3d: {  	_ =	shalt  }
0x3e: {  	_ =	shalt  }
0x3f: {  	_ =	shalt  }
0x40: {  	_ =	shalt  }
0x41: {  	_ =	shalt  }
0x42: {  	_ =	shalt  }
0x43: {  	_ =	shalt  }
0x44: {  	_ =	shalt  }
0x45: {  	_ =	shalt  }
0x46: {  	_ =	shalt  }
0x47: {  	_ =	shalt  }
0x48: {  	_ =	shalt  }
0x49: {  	_ =	shalt  }
0x4a: {  	_ =	shalt  }
0x4b: {  	_ =	shalt  }
0x4c: {  	_ =	shalt  }
0x4d: {  	_ =	shalt  }
0x4e: {  	_ =	shalt  }
0x4f: {  	_ =	shalt  }
0x50: {  	_ =	shalt  }
0x51: {  	_ =	shalt  }
0x52: {  	_ =	shalt  }
0x53: {  	_ =	shalt  }
0x54: {  	_ =	shalt  }
0x55: {  	_ =	shalt  }
0x56: {  	_ =	shalt  }
0x57: {  	_ =	shalt  }
0x58: {  	_ =	shalt  }
0x59: {  	_ =	shalt  }
0x5a: {  	_ =	shalt  }
0x5b: {  	_ =	shalt  }
0x5c: {  	_ =	shalt  }
0x5d: {  	_ =	shalt  }
0x5e: {  	_ =	shalt  }
0x5f: {  	_ =	shalt  }
0x60: {  	_ =	shalt  }
0x61: {  	_ =	shalt  }
0x62: {  	_ =	shalt  }
0x63: {  	_ =	shalt  }
0x64: {  	_ =	shalt  }
0x65: {  	_ =	shalt  }
0x66: {  	_ =	shalt  }
0x67: {  	_ =	shalt  }
0x68: {  	_ =	shalt  }
0x69: {  	_ =	shalt  }
0x6a: {  	_ =	shalt  }
0x6b: {  	_ =	shalt  }
0x6c: {  	_ =	shalt  }
0x6d: {  	_ =	shalt  }
0x6e: {  	_ =	shalt  }
0x6f: {  	_ =	shalt  }
0x70: {  	_ =	shalt  }
0x71: {  	_ =	shalt  }
0x72: {  	_ =	shalt  }
0x73: {  	_ =	shalt  }
0x74: {  	_ =	shalt  }
0x75: {  	_ =	shalt  }
0x76: {  	_ =	shalt  }
0x77: {  	_ =	shalt  }
0x78: {  	_ =	shalt  }
0x79: {  	_ =	shalt  }
0x7a: {  	_ =	shalt  }
0x7b: {  	_ =	shalt  }
0x7c: {  	_ =	shalt  }
0x7d: {  	_ =	shalt  }
0x7e: {  	_ =	shalt  }
0x7f: {  	_ =	shalt  }
0x80: {  	_ =	shalt  }
0x81: {  	_ =	shalt  }
0x82: {  	_ =	shalt  }
0x83: {  	_ =	shalt  }
0x84: {  	_ =	shalt  }
0x85: {  	_ =	shalt  }
0x86: {  	_ =	shalt  }
0x87: {  	_ =	shalt  }
.Lfunc_end0:
.L_simem_size_0:
called_computation_lowered:
.L_overlay_start_0:
0x88: {  	s2 =	sld [smem:$0x3FD9]  }
0x89: {  	s3 =	sld [smem:$0x3FFE];
	_ =	sdelay $0x1  }
0x8a: {  	s1 =	srdreg.scid  }
0x8b: {  	s0 =	sand.u32 $0x1, s1  }
0x8c: {  	s16 =	sshll.u32 s0, $0xA;
	s2 =	sadd.s32 s3, s2  }
0x8d: {  	s2 =	sadd.s32 s2, s16  }
0x8e: {  	[smem:$0x3FB8] =	sst s2  }
0x8f: {  	_ = 	snop  }
0x90: {  	(tm) =	ssettm $0x1  }
0x91: {  	s17 =	sld [smem:$0x3FFB];
	_ =	sdelay $0x3  }
0x92: {  	_ =	strace s17  }
0x93: {  	s2 =	sld [smem:$0x3FFC];
	_ =	sdelay $0x3  }
0x94: {  	_ =	strace s2  }
0x95: {  	s2 =	sld [smem:$0x3FFD];
	_ =	sdelay $0x3  }
0x96: {  	_ =	strace s2  }
0x97: {  	_ =	strace $0x8FFFFFFF  }
0x98: {  	s18 =	sld [smem:$0x3FDB];
	_ =	sdelay $0x1  }
0x99: {  	s19 =	simm.s32 $_scs_section_size  }
0x9a: {  	s4 =	simm.s32 $_size__tile_overlayer_lowered;
	s5 =	simm.s32 $_tile_overlayer_lowered  }
0x9b: {  	s22 =	simm.s32 $0x1BFF;
	s21 =	sshll.u32 s5, $0x1;
	s2 =	sadd.s32 s19, s18  }
0x9c: {  	s6 =	simm.s32 $0x0;
	s20 =	sshll.u32 s4, $0x1;
	s4 =	sadd.s32 s21, s2  }
0x9d: {  	[timem:s6], [sflag:s22] =	dma.local [hbm:s4], s20  }
0x9e: {  	_ =	swait.ge [sflag:s22], s20  }
0x9f: {  	s3 =	ssub.s32 $0x0, s20;
	[sflag:s22] =	ssyncset.done $0x0  }
0xa0: {  	[sflag:s22] =	ssyncadd.s32 s3;
	_ =	sdelay $0x1  }
0xa1: {  	s23 =	simm.s32 $0x1B8B  }
0xa2: {  	_ =	swait.ge [sflag:s23], $0x1  }
0xa3: {  	[sflag:s23] =	ssyncset.done $0x0  }
0xa4: {  	s25 =	simm.s32 $0x1B8E;
	s24 =	sld [smem:$0x3FFE];
	[sflag:s23] =	ssyncadd.s32 $0xFFFFFFFF  }
0xa5: {  	s26 =	simm.s32 $execute0_lowered;
	[smem:$0x3FD2] =	sst s25  }
0xa6: {  	s4 =	sshll.u32 s26, $0x1;
	_ =	strace $0x80000046;
	[dreg:$0x1] =	wrdreg $0xFFFFFFFF  }
0xa7: {  	s28 =	simm.s32 $_size_execute0_lowered;
	s2 =	sadd.s32 s2, s4;
	[dreg:$0x0] =	wrdreg $0x0  }
0xa8: {  	s4 =	sshll.u32 s28, $0x1;
	[dreg:$0x2] =	wrdreg s2  }
0xa9: {  	[dreg:$0x3] =	wrdreg s4  }
0xaa: {  	[dreg:$0x4] =	wrdreg $0xC0  }
0xab: {  	_ =	task [dreg:s6], $0x5FFFF  }
0xac: {  	[dreg:$0x1] =	wrdreg $0xFFFFFFFF  }
0xad: {  	[dreg:$0x0] =	wrdreg $0x60  }
0xae: {  	[dreg:$0x2] =	wrdreg s24  }
0xaf: {  	[dreg:$0x3] =	wrdreg $0x9  }
0xb0: {  	_ =	task.clear_ibuf [dreg:s6], $0x4FFFF;
	_ =	strace $0x90000046  }
0xb1: {  	s29 =	simm.s32 $0x9;
	_ =	strace $0x80000048  }
0xb2: {  	_ =	swait.ge [sflag:s29], $0x1  }
0xb3: {  	[sflag:s29] =	ssyncadd.s32 $0xFFFFFFFF  }
0xb4: {  	_ =	strace $0x90000048  }
0xb5: {  	_ =	sfence  }
0xb6: {  	s30 =	sld [smem:$0x0];
	_ =	sdelay $0x2  }
0xb7: {  	s31 =	sshll.u32 s1, $0xD;
	s1 =	sshrl.u32 s1, $0x2  }
0xb8: {  	s3 =	sand.u32 $0x4000, s31;
	s1 =	sadd.s32 s1, s30  }
0xb9: {  	s0 =	sor.u32 s3, s0;
	s1 =	sshll.u32 s1, $0x11  }
0xba: {  	s0 =	sor.u32 s1, s0  }
0xbb: {  	s0 =	sadd.s32 $0x8F2B, s0  }
0xbc: {  	[sflag:s0] =	ssyncadd.remote.s32 $0x1  }
0xbd: {  	_ =	sfence.sel $0xFFFF  }
0xbe: {  	[dreg:$0x0] =	wrdreg $0xFFFFFFFF;
	(pc) =	sbr.abs _section_cstart, $3  }
0xbf: {  	[dreg:$0x1] =	wrdreg $0xFFFFFFFF  }
0xc0: {  	_ =	task.clear_ibuf [dreg:s6], $0x2FFFF;
	_ =	strace $0x9FFFFFFF  }
0xc1: {  	(tm) =	ssettm $0x7FFFFFFF  }
tec
execute0_lowered:
.L_overlay_start_1:
0x0: {  	(tag) =	ssettag $0x1  }
0x1: {  	s1 =	srdreg.scid  }
0x2: {  	s0 =	stileid.u32;
	s3 =	rddreg [dreg:$0x0];
	s8 =	simm.s32 $0x1  }
0x3: {  	s9 =	simm.s32 $0x2780;
	s10 =	simm.s32 $0x4F00;
	s11 =	simm.s32 $0x7680  }
0x4: {  	s12 =	simm.s32 $0x80;
	s13 =	simm.s32 $0x400;
	s14 =	simm.s32 $0x0  }
0x5: {  	s4 =	sand.u32 $0x1, s1;
	s2 =	sshll.u32 s0, $0x1;
	s1 =	rddreg [dreg:$0x1]  }
0x6: {  	s6 =	sshrl.u32 s0, $0x2;
	s5 =	sor.u32 s4, s2;
	s2 =	simm.s32 $0x0  }
0x7: {  	s6 =	smul.u32 $0x13C00, s6;
	s4 =	ssub.s32 $0x2, s4;
	s7 =	sshll.u32 s5, $0x7  }
0x8: {  	[smem:$0x7FF] =	sst s2;
	s5 =	smul.u32 $0x4E2, s5;
	s7 =	sand.u32 $0x380, s7  }
0x9: {  	s31 =	sshrl.u32 s4, $0x1;
	_ =	strace $0x80000047;
	s6 =	sor.u32 s6, s7  }
0xa: {  	s5 =	sadd.s32 s5, s3;
	s7 =	ssub.s32 s4, s31;
	s6 =	sshrl.u32 s6, $0x3  }
0xb: {  	s4 =	sadd.s32 $0x2600, s5;
	s7 =	smax.u32 s7, $0x1;
	s6 =	sadd.s32 s6, s3  }
0xc: {  	v0 =	vimm.s32 $0x0;
	v1 =	vimm.s32 $0x1;
	s3 =	sadd.s32 $0xC400, s5;
	s5 =	sadd.s32 $0x16200, s6;
	s6 =	sadd.s32 $0x20000, s6  }
.LBB2_1:
0xd: {  	[tilespmem:s2], [sflag:$0x1] =	stream.linear.gather [hbm4b:s3+s2], $0x2710, $0x38;
	[tilespmem:$0x9E00] =	vst v63  }
0xe: {  	_ =	swait.ge [sflag:s8], $0x2710  }
0xf: {  	[sflag:s8] =	ssyncset.done $0x0  }
0x10: {  	[sflag:s8] =	ssyncadd.s32 $0xFFFFD8F0  }
0x11: {  	[tilespmem:s9], [sflag:$0x1] =	stream.linear.gather [hbm4b:s4+s2], $0x2710, $0x38;
	[tilespmem:$0x9E00] =	vst v63  }
0x12: {  	_ =	swait.ge [sflag:s8], $0x2710  }
0x13: {  	[sflag:s8] =	ssyncset.done $0x0  }
0x14: {  	s15 =	simm.s32 $0x0;
	[sflag:s8] =	ssyncadd.s32 $0xFFFFD8F0  }
.LBB2_2:
0x15: {  	p0 =	sne.s32 s15, $0x9C00  }
.Ltmp0:
0x16: {  	_ = 	snop;
	(pc) =	sbr.rel @p0 .LBB2_2-.Ltmp0, $4  }
0x17: {  	_ = 	snop  }
0x18: {  	s16 =	sshra.s32 s15, $0x2  }
0x19: {  	[tilespmem:s16+$0x4F00] =	vst v0  }
0x1a: {  	s15 =	sadd.s32 $0x40, s15;
	[tilespmem:s16+$0x7680] =	vst v0  }
0x1b: {  	s16 =	simm.s32 $0x0;
	s15 =	simm.s32 $0x40  }
.LBB2_4:
0x1c: {  	p0 =	sne.s32 s15, $0x9C00;
	v2 =	vld [tilespmem:s16+$0x2780];
	_ =	sdelay $0x2  }
0x1d: {  	v3 =	vld [tilespmem:s16+$0x0];
	_ =	sdelay $0x1  }
0x1e: {  	vm0 =	veq.s32 v2, $0x2;
	_ =	sdelay $0x1  }
.Ltmp1:
0x1f: {  	(pc) =	sbr.rel @p0 .LBB2_4-.Ltmp1, $3  }
0x20: {  	_ =	sdelay $0x1  }
0x21: {  	[tilespmem:v2+s10+$0x0] =	vst.idx.add.s32.msk $0xffff, v1  }
0x22: {  	s16 =	sshra.s32 s15, $0x2;
	s15 =	sadd.s32 $0x40, s15;
	[tilespmem:v3+s11+$0x0] =	vst.idx.add.s32.msk vm0, v1  }
0x23: {  	v2 =	vld [tilespmem:s16+$0x2780];
	_ =	sdelay $0x2  }
0x24: {  	v3 =	vld [tilespmem:s16+$0x0];
	_ =	sdelay $0x1  }
0x25: {  	vm0 =	veq.s32 v2, $0x2;
	_ =	sdelay $0x4  }
0x26: {  	[tilespmem:v2+s10+$0x0] =	vst.idx.add.s32.msk $0xffff, v1  }
0x27: {  	[tilespmem:v3+s11+$0x0] =	vst.idx.add.s32.msk vm0, v1  }
0x28: {  	[hbm4b:s5+s12] =	stream.strided.scatter [tilespmem:s10], [sflag:$0x1], $0x2780, s13, s12, $0x38;
	[tilespmem:$0x9E00] =	vst v63  }
0x29: {  	s14 =	sadd.s32 $0x1, s14;
	_ =	swait.ge [sflag:s8], $0x2780  }
0x2a: {  	p0 =	sne.s32 s14, s7;
	[sflag:s8] =	ssyncset.done $0x0  }
.Ltmp2:
0x2b: {  	[sflag:s8] =	ssyncadd.s32 $0xFFFFD880;
	(pc) =	sbr.rel @p0 .LBB2_1-.Ltmp2, $4  }
0x2c: {  	[hbm4b:s6+s12] =	stream.strided.scatter [tilespmem:s11], [sflag:$0x1], $0x2780, s13, s12, $0x38;
	[tilespmem:$0x9E00] =	vst v63  }
0x2d: {  	_ =	swait.ge [sflag:s8], $0x2780  }
0x2e: {  	[sflag:s8] =	ssyncset.done $0x0  }
0x2f: {  	[sflag:s8] =	ssyncadd.s32 $0xFFFFD880  }
0x30: {  	_ =	sfence.sel $0x180000  }
0x31: {  	[bflag:$0x0] =	sbarrier.arrive $0xFFFF  }
0x32: {  	p0 =	sne.s32 s0, $0x0;
	_ =	strace $0x90000047  }
0x33: {  	s0 =	sadd.s32 @!p0 $0x100000, s1;
	[bflag:$0x2] =	sbarrier.arrive $0xFFFF  }
0x34: {  	[sflag:s0] =	ssyncadd.tile.s32 @!p0 $0x1;
	_ =	shalt  }
.Lfunc_end2:
_tile_overlayer_lowered:
.L_overlay_start_2:
0x35: {  	(tag) =	ssettag $0x2  }
0x36: {  	s0 =	rddreg [dreg:$0x0];
	s2 =	stileid.u32  }
0x37: {  	s1 =	rddreg [dreg:$0x1];
	p0 =	sne.s32 s2, $0x0  }
0x38: {  	s3 =	rddreg [dreg:$0x2];
	[bflag:$0x3] =	sbarrier.arrive $0xFFFF;
	s2 =	simm.s32 @!p0 $0x1C01  }
0x39: {  	[timem:s3], [sflag:s2] =	dma.local @!p0 [hbm:s0], s1  }
0x3a: {  	s0 =	simm.s32 @!p0 $0x1  }
0x3b: {  	_ =	swait.ge @!p0 [sflag:s0], s1  }
0x3c: {  	s1 =	ssub.s32 @!p0 $0x0, s1;
	[sflag:s0] =	ssyncset.done @!p0 $0x0  }
0x3d: {  	[sflag:s0] =	ssyncadd.s32 @!p0 s1  }
0x3e: {  	[bflag:$0x3] =	sbarrier.arrive $0xFFFF  }
0x3f: {  	_ =	shalt  }

</sc_bundles>
